<compile_context>
chip_gen: v7x
topology: tpu7x:2x2x1
jax: 0.10.2.dev20260603
libtpu: 0.0.44.dev20260713+nightly
codegen_flags: <defaults>
</compile_context>

<pallas_src>
import functools

import jax
import jax.numpy as jnp
from jax import lax
from jax.experimental import pallas as pl
from jax.experimental.pallas import tpu as pltpu
from jax.experimental.pallas import tpu_sc as plsc

_NC = 2
_NS = 16
_NW = _NC * _NS
_CHUNK = 128


def _tc_transpose(t3, v_blk=20480):
    f_cat, emb, vocab = t3.shape
    quad = 128 // emb
    blks_per_f = -(-vocab // v_blk)
    rows_per_blk = v_blk * emb // 128
    lanes_per_q = v_blk // quad
    n_rows = f_cat * blks_per_f * rows_per_blk
    eye = jnp.eye(128, dtype=jnp.float32)

    def body(in_ref, eye_ref, out_ref):
        x = in_ref[0]
        x4 = jnp.concatenate(
            [x[:, c * lanes_per_q:(c + 1) * lanes_per_q] for c in range(quad)],
            axis=0)
        out_ref[...] = jax.lax.dot_general(
            x4, eye_ref[...], (((0,), (0,)), ((), ())),
            preferred_element_type=jnp.float32)

    table4 = pl.pallas_call(
        body,
        grid=(f_cat, blks_per_f),
        in_specs=[pl.BlockSpec((1, emb, v_blk), lambda f, j: (f, 0, j)),
                  pl.BlockSpec((128, 128), lambda f, j: (0, 0))],
        out_specs=pl.BlockSpec((rows_per_blk, 128),
                               lambda f, j: (f * blks_per_f + j, 0)),
        out_shape=jax.ShapeDtypeStruct((n_rows, 128), jnp.float32),
    )(t3, eye)
    return table4, v_blk, blks_per_f


def _sc_gather(table2d, idx3d, n_rows, emb_dim):
    chunks = idx3d.shape[1]
    rows_per_worker = chunks * _CHUNK
    mesh = plsc.VectorSubcoreMesh(core_axis_name="c", subcore_axis_name="s")

    @functools.partial(
        pl.kernel,
        out_type=jax.ShapeDtypeStruct((n_rows, emb_dim), jnp.float32),
        mesh=mesh,
        scratch_types=[
            pltpu.VMEM((chunks, _CHUNK), jnp.int32),
            pltpu.VMEM((_CHUNK, emb_dim), jnp.float32),
            pltpu.SemaphoreType.DMA,
        ],
        compiler_params=pltpu.CompilerParams(use_tc_tiling_on_sc=False),
    )
    def gather_kernel(table_hbm, idx_hbm, out_hbm, idx_v, rows_v, sem):
        wid = lax.axis_index("s") * _NC + lax.axis_index("c")
        pltpu.sync_copy(idx_hbm.at[wid], idx_v)
        base = pl.multiple_of(wid * rows_per_worker, _CHUNK)

        def body(j, carry):
            pltpu.async_copy(table_hbm.at[idx_v.at[j]], rows_v, sem).wait()
            pltpu.sync_copy(rows_v, out_hbm.at[pl.ds(base + j * _CHUNK, _CHUNK)])
            return carry

        lax.fori_loop(0, chunks, body, 0)

    return gather_kernel(table2d, idx3d)


def _tc_project(g2d, x_cont, w_full, bias_col, block_b):
    batch, k_g = g2d.shape
    k_c = x_cont.shape[1]
    n_out = w_full.shape[1]

    def body(g_ref, xc_ref, w_ref, b_ref, out_ref):
        g = g_ref[...].astype(jnp.bfloat16)
        x = xc_ref[...].astype(jnp.bfloat16)
        rhs = jnp.concatenate([g, x], axis=1)
        acc = jax.lax.dot_general(
            w_ref[...], rhs, (((0,), (1,)), ((), ())),
            preferred_element_type=jnp.float32)
        out_ref[...] = acc + b_ref[...]

    return pl.pallas_call(
        body,
        grid=(batch // block_b,),
        in_specs=[
            pl.BlockSpec((block_b, k_g), lambda i: (i, 0)),
            pl.BlockSpec((block_b, k_c), lambda i: (i, 0)),
            pl.BlockSpec((k_g + k_c, n_out), lambda i: (0, 0)),
            pl.BlockSpec((n_out, 1), lambda i: (0, 0)),
        ],
        out_specs=pl.BlockSpec((n_out, block_b), lambda i: (0, i)),
        out_shape=jax.ShapeDtypeStruct((n_out, batch), jnp.float32),
    )(g2d, x_cont, w_full, bias_col)


def kernel(x_cat, x_cont, cat_tables, cat_W, cat_b, cont_W, cont_b, cls_token):
    batch, f_cat = x_cat.shape
    f_cont = x_cont.shape[1]
    _, vocab, emb = cat_tables.shape
    d = cat_W.shape[2]
    f_pad = f_cat + 2

    t3 = jnp.transpose(cat_tables, (0, 2, 1))
    table4, v_blk, blks_per_f = _tc_transpose(t3)
    table2d = table4.reshape(table4.shape[0] * (128 // emb), emb)

    lanes_per_q = v_blk // (128 // emb)
    v = x_cat.astype(jnp.int32)
    f_off = (jnp.arange(f_cat, dtype=jnp.int32) * blks_per_f)[None, :]
    ch = v // v_blk
    w = v % v_blk
    idx = (((f_off + ch) * lanes_per_q + w % lanes_per_q) * (128 // emb)
           + w // lanes_per_q)
    idx = jnp.concatenate([idx, idx[:, :f_pad - f_cat]], axis=1)
    n_rows = batch * f_pad
    idx3d = idx.reshape(_NW, n_rows // (_NW * _CHUNK), _CHUNK)

    gathered = _sc_gather(table2d, idx3d, n_rows, emb)
    g2d = gathered.reshape(batch, f_pad * emb)

    wdt = cat_W.dtype
    eye_cat = jnp.eye(f_cat, dtype=wdt)
    w_cat = (eye_cat[:, None, :, None] * cat_W[:, :, None, :]).reshape(f_cat * emb, f_cat * d)
    eye_cont = jnp.eye(f_cont, dtype=wdt)
    w_cont = (eye_cont[:, :, None] * cont_W[:, None, :]).reshape(f_cont, f_cont * d)
    n_out = (1 + f_cat + f_cont) * d
    top = jnp.concatenate(
        [jnp.zeros((f_cat * emb, d), wdt), w_cat, jnp.zeros((f_cat * emb, f_cont * d), wdt)],
        axis=1)
    mid = jnp.zeros(((f_pad - f_cat) * emb, n_out), wdt)
    bot = jnp.concatenate([jnp.zeros((f_cont, (1 + f_cat) * d), wdt), w_cont], axis=1)
    w_full = jnp.concatenate([top, mid, bot], axis=0).astype(jnp.bfloat16)
    bias_col = jnp.concatenate(
        [cls_token.reshape(d), cat_b.reshape(-1), cont_b.reshape(-1)]).reshape(n_out, 1)

    out_t = _tc_project(g2d, x_cont, w_full, bias_col, block_b=512)
    n_tok = 1 + f_cat + f_cont
    return out_t.reshape(n_tok, d, batch).transpose(2, 0, 1)

# --- scband reference (transcript-rebuilt; emitter-appended) ---
"""Pipeline reference for scband-feature-tokenizer-8117488189653 (READ-ONLY COPY).

The authoritative reference and input builder live on the scoring server;
editing this copy changes nothing except your own understanding.
"""

import jax, jax.numpy as jnp
import numpy as np

B, F_CAT, F_CONT, V, E, D = 16384, 26, 13, 100000, 32, 64

def setup_inputs(seed: int = 0) -> dict:
    key = jax.random.key(seed)
    ks = jax.random.split(key, 8)
    x_cat = jax.random.randint(ks[0], (B, F_CAT), 0, V, dtype=jnp.int64 if jax.config.jax_enable_x64 else jnp.int32)
    x_cont = jax.random.normal(ks[1], (B, F_CONT), dtype=jnp.float32)
    # stacked per-field parameters (all fields share cardinality/embed_dim, so stacking is exact)
    cat_tables = jax.random.normal(ks[2], (F_CAT, V, E), dtype=jnp.float32) * 0.02
    cat_W = jax.random.normal(ks[3], (F_CAT, E, D), dtype=jnp.float32) * (1.0 / np.sqrt(E))
    cat_b = jnp.zeros((F_CAT, D), dtype=jnp.float32)
    cont_W = jax.random.normal(ks[4], (F_CONT, D), dtype=jnp.float32)  # Linear(1, D) weight per field
    cont_b = jnp.zeros((F_CONT, D), dtype=jnp.float32)
    cls_token = jax.random.normal(ks[5], (1, 1, D), dtype=jnp.float32)
    return {"x_cat": x_cat, "x_cont": x_cont, "cat_tables": cat_tables,
            "cat_W": cat_W, "cat_b": cat_b, "cont_W": cont_W,
            "cont_b": cont_b, "cls_token": cls_token}

def reference(x_cat, x_cont, cat_tables, cat_W, cat_b, cont_W, cont_b, cls_token):
    # per-field embedding gather: for field f, cat_tables[f][x_cat[:, f]] -> [F_CAT, B, E]
    gathered = jax.vmap(lambda tbl, idx: jnp.take(tbl, idx, axis=0))(cat_tables, x_cat.T)
    # per-field projection Linear(E, D): [F_CAT, B, D]
    cat_tok = jnp.einsum('fbe,fed->fbd', gathered, cat_W) + cat_b[:, None, :]
    cat_tok = jnp.transpose(cat_tok, (1, 0, 2))  # [B, F_CAT, D]
    # continuous: Linear(1, D) per field -> x_cont[:, f:f+1] @ W_f + b_f
    cont_tok = jnp.einsum('bf,fd->bfd', x_cont, cont_W) + cont_b[None, :, :]  # [B, F_CONT, D]
    tokens = jnp.concatenate([cat_tok, cont_tok], axis=1)  # [B, F_CAT+F_CONT, D]
    batch = x_cat.shape[0]
    cls = jnp.broadcast_to(cls_token, (batch, 1, cls_token.shape[-1]))
    return jnp.concatenate([cls, tokens], axis=1)  # [B, 1+F_CAT+F_CONT, D]

if __name__ == "__main__":
    import jax
    _d = setup_inputs()
    print(jax.jit(kernel)(*tuple(_d.values())))

</pallas_src>

<mosaic_0001>
#map = affine_map<(d0, d1) -> (0, 0)>
#map1 = affine_map<(d0, d1) -> (0, 0, 0)>
module attributes {stable_mosaic.version = 14 : i64} {
  func.func @gather_kernel(%arg0: i32, %arg1: i32, %arg2: memref<2662400x32xf32, #tpu.memory_space<hbm>>, %arg3: memref<32x112x128xi32, #tpu.memory_space<hbm>>, %arg4: memref<458752x32xf32, #tpu.memory_space<hbm>>, %arg5: memref<112x128xi32, #tpu.memory_space<vmem>>, %arg6: memref<128x32xf32, #tpu.memory_space<vmem>>, %arg7: memref<!tpu.dma_semaphore, #tpu.memory_space<semaphore_mem>>) attributes {dimension_semantics = [#tpu.dimension_semantics<core_parallel>, #tpu.dimension_semantics<subcore_parallel>], iteration_bounds = array<i64: 2, 16>, scalar_prefetch = 0 : i64, scratch_operands = 3 : i64, tpu.core_type = #tpu.core_type<sc_vector_subcore>, window_params = [{transform_indices = #map}, {transform_indices = #map1}, {transform_indices = #map}]} {
    %mul3A = arith.constant 2 : i32
    %mul3A_0 = arith.muli %arg1, %mul3A : i32
    %add3A = arith.addi %mul3A_0, %arg0 : i32
    "tpu.region"() ({
      %run_scoped3A = tpu.sem_alloc : memref<!tpu.dma_semaphore, #tpu.memory_space<semaphore_mem>>
      %dma_start3A = arith.constant 0 : i32
      %dma_start3A_8 = arith.constant 0 : i32
      %dma_start3A_9 = tpu.memref_slice %arg3[%add3A, %dma_start3A, %dma_start3A_8] : memref<32x112x128xi32, #tpu.memory_space<hbm>> -> memref<1x112x128xi32, #tpu.memory_space<hbm>>
      %dma_start3A_10 = tpu.memref_squeeze %dma_start3A_9 : memref<1x112x128xi32, #tpu.memory_space<hbm>> -> memref<112x128xi32, #tpu.memory_space<hbm>>
      %dma_start3A_11 = arith.constant 0 : i32
      %dma_start3A_12 = arith.constant 0 : i32
      %dma_start3A_13 = tpu.memref_slice %arg3[%add3A, %dma_start3A_11, %dma_start3A_12] : memref<32x112x128xi32, #tpu.memory_space<hbm>> -> memref<1x112x128xi32, #tpu.memory_space<hbm>>
      %dma_start3A_14 = tpu.memref_squeeze %dma_start3A_13 : memref<1x112x128xi32, #tpu.memory_space<hbm>> -> memref<112x128xi32, #tpu.memory_space<hbm>>
      tpu.enqueue_dma source(%dma_start3A_14 : memref<112x128xi32, #tpu.memory_space<hbm>>) target(%arg5 : memref<112x128xi32, #tpu.memory_space<vmem>>) target_semaphore(%run_scoped3A : memref<!tpu.dma_semaphore, #tpu.memory_space<semaphore_mem>>)
      %dma_wait3A = arith.constant 0 : i32
      %dma_wait3A_15 = arith.constant 0 : i32
      %dma_wait3A_16 = tpu.memref_slice %arg3[%add3A, %dma_wait3A, %dma_wait3A_15] : memref<32x112x128xi32, #tpu.memory_space<hbm>> -> memref<1x112x128xi32, #tpu.memory_space<hbm>>
      %dma_wait3A_17 = tpu.memref_squeeze %dma_wait3A_16 : memref<1x112x128xi32, #tpu.memory_space<hbm>> -> memref<112x128xi32, #tpu.memory_space<hbm>>
      %dma_wait3A_18 = arith.constant 0 : i32
      %dma_wait3A_19 = arith.constant 0 : i32
      %dma_wait3A_20 = tpu.memref_slice %arg3[%add3A, %dma_wait3A_18, %dma_wait3A_19] : memref<32x112x128xi32, #tpu.memory_space<hbm>> -> memref<1x112x128xi32, #tpu.memory_space<hbm>>
      %dma_wait3A_21 = tpu.memref_squeeze %dma_wait3A_20 : memref<1x112x128xi32, #tpu.memory_space<hbm>> -> memref<112x128xi32, #tpu.memory_space<hbm>>
      tpu.wait_dma2 semaphore(%run_scoped3A : memref<!tpu.dma_semaphore, #tpu.memory_space<semaphore_mem>>) src(%dma_wait3A_21 : memref<112x128xi32, #tpu.memory_space<hbm>>) dst(%arg5 : memref<112x128xi32, #tpu.memory_space<vmem>>)
      tpu.yield
    }) : () -> ()
    %mul3A_1 = arith.constant 14336 : i32
    %mul3A_2 = arith.muli %add3A, %mul3A_1 : i32
    %multiple_of3A = tpu.assume_multiple %mul3A_2, 128 : i32
    %scan3A = arith.constant 0 : i32
    %scan3A_3 = arith.constant 0 : i32
    %scan3A_4 = arith.constant 112 : i32
    %scan3A_5 = arith.addi %scan3A_3, %scan3A_4 : i32
    %scan3A_6 = arith.constant 1 : i32
    scf.for %scan3A_8 = %scan3A_3 to %scan3A_5 step %scan3A_6  : i32 {
      %dma_start3A = arith.constant 0 : i32
      %dma_start3A_9 = tpu.memref_slice %arg5[%scan3A_8, %dma_start3A] : memref<112x128xi32, #tpu.memory_space<vmem>> -> memref<1x128xi32, #tpu.memory_space<vmem>>
      %dma_start3A_10 = tpu.memref_squeeze %dma_start3A_9 : memref<1x128xi32, #tpu.memory_space<vmem>> -> memref<128xi32, #tpu.memory_space<vmem>>
      %dma_start3A_11 = arith.constant 0 : i32
      %dma_start3A_12 = arith.constant 0 : i32
      %dma_start3A_13 = tpu.memref_slice %arg2[%dma_start3A_11, %dma_start3A_12] : memref<2662400x32xf32, #tpu.memory_space<hbm>> -> memref<2662400x32xf32, #tpu.memory_space<hbm>>
      tpu.enqueue_indirect_dma source(%dma_start3A_13 : memref<2662400x32xf32, #tpu.memory_space<hbm>>) target(%arg6 : memref<128x32xf32, #tpu.memory_space<vmem>>) offsets(%dma_start3A_10 : memref<128xi32, #tpu.memory_space<vmem>>) semaphore(%arg7 : memref<!tpu.dma_semaphore, #tpu.memory_space<semaphore_mem>>)
      %dma_wait3A = arith.constant 0 : i32
      %dma_wait3A_14 = tpu.memref_slice %arg5[%scan3A_8, %dma_wait3A] : memref<112x128xi32, #tpu.memory_space<vmem>> -> memref<1x128xi32, #tpu.memory_space<vmem>>
      %dma_wait3A_15 = tpu.memref_squeeze %dma_wait3A_14 : memref<1x128xi32, #tpu.memory_space<vmem>> -> memref<128xi32, #tpu.memory_space<vmem>>
      %dma_wait3A_16 = arith.constant 0 : i32
      %dma_wait3A_17 = arith.constant 0 : i32
      %dma_wait3A_18 = tpu.memref_slice %arg2[%dma_wait3A_16, %dma_wait3A_17] : memref<2662400x32xf32, #tpu.memory_space<hbm>> -> memref<2662400x32xf32, #tpu.memory_space<hbm>>
      tpu.wait_indirect_dma semaphore(%arg7 : memref<!tpu.dma_semaphore, #tpu.memory_space<semaphore_mem>>) src(%dma_wait3A_18 : memref<2662400x32xf32, #tpu.memory_space<hbm>>) dst(%arg6 : memref<128x32xf32, #tpu.memory_space<vmem>>)
      %mul3A_19 = arith.constant 128 : i32
      %mul3A_20 = arith.muli %scan3A_8, %mul3A_19 : i32
      %add3A_21 = arith.addi %multiple_of3A, %mul3A_20 : i32
      "tpu.region"() ({
        %run_scoped3A = tpu.sem_alloc : memref<!tpu.dma_semaphore, #tpu.memory_space<semaphore_mem>>
        %dma_start3A_22 = arith.constant 0 : i32
        %dma_start3A_23 = tpu.memref_slice %arg4[%add3A_21, %dma_start3A_22] : memref<458752x32xf32, #tpu.memory_space<hbm>> -> memref<128x32xf32, #tpu.memory_space<hbm>>
        %dma_start3A_24 = arith.constant 0 : i32
        %dma_start3A_25 = tpu.memref_slice %arg4[%add3A_21, %dma_start3A_24] : memref<458752x32xf32, #tpu.memory_space<hbm>> -> memref<128x32xf32, #tpu.memory_space<hbm>>
        tpu.enqueue_dma source(%arg6 : memref<128x32xf32, #tpu.memory_space<vmem>>) target(%dma_start3A_25 : memref<128x32xf32, #tpu.memory_space<hbm>>) target_semaphore(%run_scoped3A : memref<!tpu.dma_semaphore, #tpu.memory_space<semaphore_mem>>)
        %dma_wait3A_26 = arith.constant 0 : i32
        %dma_wait3A_27 = tpu.memref_slice %arg4[%add3A_21, %dma_wait3A_26] : memref<458752x32xf32, #tpu.memory_space<hbm>> -> memref<128x32xf32, #tpu.memory_space<hbm>>
        %dma_wait3A_28 = arith.constant 0 : i32
        %dma_wait3A_29 = tpu.memref_slice %arg4[%add3A_21, %dma_wait3A_28] : memref<458752x32xf32, #tpu.memory_space<hbm>> -> memref<128x32xf32, #tpu.memory_space<hbm>>
        tpu.wait_dma2 semaphore(%run_scoped3A : memref<!tpu.dma_semaphore, #tpu.memory_space<semaphore_mem>>) src(%arg6 : memref<128x32xf32, #tpu.memory_space<vmem>>) dst(%dma_wait3A_29 : memref<128x32xf32, #tpu.memory_space<hbm>>)
        tpu.yield
      }) : () -> ()
    }
    %scan3A_7 = arith.constant 112 : i32
    return
  }
}

module attributes {stable_mosaic.version = 14 : i64} {
  func.func @body(%arg0: i32, %arg1: i32, %arg2: memref<1x32x20480xf32, #tpu.memory_space<vmem>>, %arg3: memref<128x128xf32, #tpu.memory_space<vmem>>, %arg4: memref<5120x128xf32, #tpu.memory_space<vmem>>) attributes {dimension_semantics = [#tpu.dimension_semantics<arbitrary>, #tpu.dimension_semantics<arbitrary>], iteration_bounds = array<i64: 26, 5>, scalar_prefetch = 0 : i64, scratch_operands = 0 : i64, tpu.core_type = #tpu.core_type<tc>, window_params = [{transform_indices = @transform_0, window_bounds = array<i64: 1, 32, 20480>}, {pipeline_mode = #tpu.pipeline_mode<synchronous>, transform_indices = @transform_1, window_bounds = array<i64: 128, 128>}, {transform_indices = @transform_2, window_bounds = array<i64: 5120, 128>}]} {
    %get3A = arith.constant 0 : index
    %get3A_0 = arith.constant 0 : index
    %get3A_1 = arith.constant 0 : index
    %get3A_2 = vector.load %arg2[%get3A, %get3A_0, %get3A_1] : memref<1x32x20480xf32, #tpu.memory_space<vmem>>, vector<1x32x20480xf32>
    %get3A_3 = vector.shape_cast %get3A_2 : vector<1x32x20480xf32> to vector<32x20480xf32>
    %slice3A = vector.extract_strided_slice %get3A_3 {offsets = [0, 0], sizes = [32, 5120], strides = [1, 1]} : vector<32x20480xf32> to vector<32x5120xf32>
    %slice3A_4 = vector.extract_strided_slice %get3A_3 {offsets = [0, 5120], sizes = [32, 5120], strides = [1, 1]} : vector<32x20480xf32> to vector<32x5120xf32>
    %slice3A_5 = vector.extract_strided_slice %get3A_3 {offsets = [0, 10240], sizes = [32, 5120], strides = [1, 1]} : vector<32x20480xf32> to vector<32x5120xf32>
    %slice3A_6 = vector.extract_strided_slice %get3A_3 {offsets = [0, 15360], sizes = [32, 5120], strides = [1, 1]} : vector<32x20480xf32> to vector<32x5120xf32>
    %concatenate3A = tpu.concatenate %slice3A, %slice3A_4, %slice3A_5, %slice3A_6 in 0 : vector<32x5120xf32>, vector<32x5120xf32>, vector<32x5120xf32>, vector<32x5120xf32> -> vector<128x5120xf32>
    %get3A_7 = arith.constant 0 : index
    %get3A_8 = arith.constant 0 : index
    %get3A_9 = vector.load %arg3[%get3A_7, %get3A_8] : memref<128x128xf32, #tpu.memory_space<vmem>>, vector<128x128xf32>
    %dot_general3A = arith.constant dense<0.000000e+00> : vector<5120x128xf32>
    %dot_general3A_10 = tpu.matmul %concatenate3A, %get3A_9, %dot_general3A {dimension_numbers = #tpu.dot_dimension_numbers<[0], [0], [1], [1], [0, 1, 1, 1], [], []>, transpose_lhs_hint = false} : vector<128x5120xf32>, vector<128x128xf32>, vector<5120x128xf32> -> vector<5120x128xf32>
    %swap3A = arith.constant 0 : index
    %swap3A_11 = arith.constant 0 : index
    %swap3A_12 = vector.load %arg4[%swap3A, %swap3A_11] : memref<5120x128xf32, #tpu.memory_space<vmem>>, vector<5120x128xf32>
    tpu.vector_store %arg4[%swap3A, %swap3A_11], %dot_general3A_10 {strides = array<i32>} : memref<5120x128xf32, #tpu.memory_space<vmem>>, vector<5120x128xf32>,
    return
  }
  func.func @transform_0(%arg0: i32, %arg1: i32) -> (i32, i32, i32) {
    %c0_i32 = arith.constant 0 : i32
    %c0_i32_0 = arith.constant 0 : i32
    return %arg0, %c0_i32, %arg1 : i32, i32, i32
  }
  func.func @transform_1(%arg0: i32, %arg1: i32) -> (i32, i32) {
    %c0_i32 = arith.constant 0 : i32
    %c0_i32_0 = arith.constant 0 : i32
    %c0_i32_1 = arith.constant 0 : i32
    return %c0_i32, %c0_i32_0 : i32, i32
  }
  func.func @transform_2(%arg0: i32, %arg1: i32) -> (i32, i32) {
    %mul3A = arith.constant 5 : i32
    %mul3A_0 = arith.muli %arg0, %mul3A : i32
    %add3A = arith.addi %mul3A_0, %arg1 : i32
    %c0_i32 = arith.constant 0 : i32
    %c0_i32_1 = arith.constant 0 : i32
    return %add3A, %c0_i32 : i32, i32
  }
}

module attributes {stable_mosaic.version = 14 : i64} {
  func.func @body(%arg0: i32, %arg1: memref<512x896xf32, #tpu.memory_space<vmem>>, %arg2: memref<512x13xf32, #tpu.memory_space<vmem>>, %arg3: memref<909x2560xbf16, #tpu.memory_space<vmem>>, %arg4: memref<2560x1xf32, #tpu.memory_space<vmem>>, %arg5: memref<2560x512xf32, #tpu.memory_space<vmem>>) attributes {dimension_semantics = [#tpu.dimension_semantics<arbitrary>], iteration_bounds = array<i64: 32>, scalar_prefetch = 0 : i64, scratch_operands = 0 : i64, tpu.core_type = #tpu.core_type<tc>, window_params = [{transform_indices = @transform_0, window_bounds = array<i64: 512, 896>}, {transform_indices = @transform_1, window_bounds = array<i64: 512, 13>}, {pipeline_mode = #tpu.pipeline_mode<synchronous>, transform_indices = @transform_2, window_bounds = array<i64: 909, 2560>}, {pipeline_mode = #tpu.pipeline_mode<synchronous>, transform_indices = @transform_3, window_bounds = array<i64: 2560, 1>}, {transform_indices = @transform_4, window_bounds = array<i64: 2560, 512>}]} {
    %get3A = arith.constant 0 : index
    %get3A_0 = arith.constant 0 : index
    %get3A_1 = vector.load %arg1[%get3A, %get3A_0] : memref<512x896xf32, #tpu.memory_space<vmem>>, vector<512x896xf32>
    %convert_element_type3A = arith.truncf %get3A_1 : vector<512x896xf32> to vector<512x896xbf16>
    %get3A_2 = arith.constant 0 : index
    %get3A_3 = arith.constant 0 : index
    %get3A_4 = vector.load %arg2[%get3A_2, %get3A_3] : memref<512x13xf32, #tpu.memory_space<vmem>>, vector<512x13xf32>
    %convert_element_type3A_5 = arith.truncf %get3A_4 : vector<512x13xf32> to vector<512x13xbf16>
    %concatenate3A = tpu.concatenate %convert_element_type3A, %convert_element_type3A_5 in 1 : vector<512x896xbf16>, vector<512x13xbf16> -> vector<512x909xbf16>
    %get3A_6 = arith.constant 0 : index
    %get3A_7 = arith.constant 0 : index
    %get3A_8 = vector.load %arg3[%get3A_6, %get3A_7] : memref<909x2560xbf16, #tpu.memory_space<vmem>>, vector<909x2560xbf16>
    %dot_general3A = arith.constant dense<0.000000e+00> : vector<2560x512xf32>
    %dot_general3A_9 = tpu.matmul %get3A_8, %concatenate3A, %dot_general3A {dimension_numbers = #tpu.dot_dimension_numbers<[0], [1], [1], [0], [0, 1, 1, 0], [], []>, transpose_lhs_hint = false} : vector<909x2560xbf16>, vector<512x909xbf16>, vector<2560x512xf32> -> vector<2560x512xf32>
    %get3A_10 = arith.constant 0 : index
    %get3A_11 = arith.constant 0 : index
    %get3A_12 = vector.load %arg4[%get3A_10, %get3A_11] : memref<2560x1xf32, #tpu.memory_space<vmem>>, vector<2560x1xf32>
    %add3A = vector.broadcast %get3A_12 : vector<2560x1xf32> to vector<2560x512xf32>
    %add3A_13 = arith.addf %dot_general3A_9, %add3A : vector<2560x512xf32>
    %swap3A = arith.constant 0 : index
    %swap3A_14 = arith.constant 0 : index
    %swap3A_15 = vector.load %arg5[%swap3A, %swap3A_14] : memref<2560x512xf32, #tpu.memory_space<vmem>>, vector<2560x512xf32>
    tpu.vector_store %arg5[%swap3A, %swap3A_14], %add3A_13 {strides = array<i32>} : memref<2560x512xf32, #tpu.memory_space<vmem>>, vector<2560x512xf32>,
    return
  }
  func.func @transform_0(%arg0: i32) -> (i32, i32) {
    %c0_i32 = arith.constant 0 : i32
    %c0_i32_0 = arith.constant 0 : i32
    return %arg0, %c0_i32 : i32, i32
  }
  func.func @transform_1(%arg0: i32) -> (i32, i32) {
    %c0_i32 = arith.constant 0 : i32
    %c0_i32_0 = arith.constant 0 : i32
    return %arg0, %c0_i32 : i32, i32
  }
  func.func @transform_2(%arg0: i32) -> (i32, i32) {
    %c0_i32 = arith.constant 0 : i32
    %c0_i32_0 = arith.constant 0 : i32
    %c0_i32_1 = arith.constant 0 : i32
    return %c0_i32, %c0_i32_0 : i32, i32
  }
  func.func @transform_3(%arg0: i32) -> (i32, i32) {
    %c0_i32 = arith.constant 0 : i32
    %c0_i32_0 = arith.constant 0 : i32
    %c0_i32_1 = arith.constant 0 : i32
    return %c0_i32, %c0_i32_0 : i32, i32
  }
  func.func @transform_4(%arg0: i32) -> (i32, i32) {
    %c0_i32 = arith.constant 0 : i32
    %c0_i32_0 = arith.constant 0 : i32
    return %c0_i32, %arg0 : i32, i32
  }
}

</mosaic_0001>

<sc_bundles>
// kernel: kernel.5.cloned.1.call-start
scs
__scs_entry_jumppad:
0x0: {  	(pc) =	sbr.rel $0x88, $3  }
0x1: {  	(tag) =	ssettag $0x0;
	lr =	simm.s32 $0x1  }
0x2: {  	[smem:$0x3F99] =	sst lr;
	_ =	strace $0xD0000000  }
0x3: {  	_ = 	snop  }
0x4: {  	_ = 	snop  }
0x5: {  	_ = 	snop  }
0x6: {  	_ = 	snop  }
0x7: {  	_ = 	snop  }
__scs_overlays_trampoline_lowered:
0x8: {  	[smem:$0x3FA8] =	sst s0  }
0x9: {  	[smem:$0x3FA9] =	sst s1  }
0xa: {  	[smem:$0x3FAA] =	sst s2  }
0xb: {  	[smem:$0x3FAB] =	sst s3  }
0xc: {  	[smem:$0x3FAC] =	sst s4  }
0xd: {  	[smem:$0x3FAD] =	sst s5  }
0xe: {  	[smem:$0x3FAE] =	sst s6  }
0xf: {  	[smem:$0x3FAF] =	sst s7  }
0x10: {  	[smem:$0x3FB0] =	sst s8  }
0x11: {  	[smem:$0x3FB1] =	sst s9;
	s0 =	simm.s32 @!p0 $0x0  }
0x12: {  	s1 =	sld [smem:$0x3F97];
	s0 =	simm.s32 @p0 $0x1  }
0x13: {  	[smem:$0x3FB2] =	sst s0;
	s0 =	simm.s32 @!p1 $0x0  }
0x14: {  	s2 =	sld [smem:$0x3F96];
	s0 =	simm.s32 @p1 $0x1  }
0x15: {  	[smem:$0x3FB3] =	sst s0;
	s0 =	simm.s32 @!p2 $0x0  }
0x16: {  	s3 =	sld [smem:$0x3FDB];
	s0 =	simm.s32 @p2 $0x1  }
0x17: {  	s4 =	simm.s32 $0x1BF5;
	[smem:$0x3FB5] =	sst s0  }
0x18: {  	s0 =	sld [smem:$0x3F98];
	_ =	swait.ge [sflag:s4], $0x0  }
0x19: {  	s7 =	sld [smem:$0x3F99]  }
0x1a: {  	s8 =	sadd.s32 $0xFFFFE003, lr  }
0x1b: {  	s9 =	sadd.s32 $0xFFFFFEF7, lr;
	s5 =	simm.s32 $0xFFFFFFFF;
	p2 =	slt.u32 s8, $0xFFFFF086  }
0x1c: {  	p1 =	slt.u32 s9, $0xF7A;
	s5 =	simm.s32 @!p2 $0x0  }
0x1d: {  	s5 =	simm.s32 @p1 $0x1;
	p0 =	seq.s32 s7, s2  }
0x1e: {  	s7 =	smul.u32 @!p0 $0xF7A, s2;
	p2 =	seq.s32 @!p0 s5, $0x0  }
0x1f: {  	s9 =	smul.u32 $0xF7A, s1;
	s8 =	simm.s32 @!p0 $0x1BF5;
	p2 =	por !p2, p0  }
0x20: {  	[sflag:s8] =	ssyncset.s32 @!p0 $0xFFFFF086;
	s6 =	sadd.s32 @!p0 s3, s7;
	s7 =	simm.s32 @!p0 $0x108  }
0x21: {  	s3 =	sadd.s32 s3, s9;
	s6 =	sadd.s32 @!p0 $0x88, s6;
	s7 =	simm.s32 @p2 $0x1082  }
0x22: {  	[simem:s7], [sflag:s8] =	dma.local @!p0 [hbm:s6], $0xF7A  }
0x23: {  	s9 =	sor.u32 $0xD0000000, s2;
	s6 =	simm.s32 $0x108;
	_ =	swait.ge @!p0 [sflag:s8], $0x0  }
0x24: {  	s3 =	sadd.s32 $0x88, s3;
	s6 =	simm.s32 @!p1 $0x1082;
	[sflag:s4] =	ssyncset.s32 $0xFFFFF086  }
0x25: {  	[simem:s6], [sflag:s4] =	dma.local [hbm:s3], $0xF7A  }
0x26: {  	[smem:$0x3F99] =	sst s1;
	(tag) =	ssettag s2;
	_ =	strace s9  }
0x27: {  	s1 =	sld [smem:$0x3FA9]  }
0x28: {  	s2 =	sld [smem:$0x3FAA]  }
0x29: {  	s4 =	sld [smem:$0x3FAC]  }
0x2a: {  	p0 =	seq.s32 s5, $0x0;
	s5 =	sld [smem:$0x3FAD]  }
0x2b: {  	s6 =	sld [smem:$0x3FAE]  }
0x2c: {  	s7 =	sld [smem:$0x3FAF]  }
0x2d: {  	s3 =	simm.s32 $0x108;
	s8 =	sld [smem:$0x3FB0]  }
0x2e: {  	s3 =	simm.s32 @!p0 $0x1082;
	s9 =	sld [smem:$0x3FB1]  }
0x2f: {  	lr =	sadd.s32 s0, s3;
	s0 =	sld [smem:$0x3FA8]  }
0x30: {  	s3 =	sld [smem:$0x3FAB]  }
0x31: {  	[smem:$0x3FB4] =	sst s10  }
0x32: {  	s10 =	sld [smem:$0x3FB2];
	_ =	sdelay $0x3  }
0x33: {  	p0 =	seq.s32 s10, $0x1;
	s10 =	sld [smem:$0x3FB4];
	_ =	sdelay $0x3  }
0x34: {  	[smem:$0x3FB4] =	sst s10  }
0x35: {  	s10 =	sld [smem:$0x3FB3];
	_ =	sdelay $0x3  }
0x36: {  	p1 =	seq.s32 s10, $0x1;
	s10 =	sld [smem:$0x3FB4];
	_ =	sdelay $0x3  }
0x37: {  	[smem:$0x3FB4] =	sst s10  }
0x38: {  	s10 =	sld [smem:$0x3FB5]  }
0x39: {  	_ = 	snop;
	(pc) =	sbr.ind lr, $3  }
0x3a: {  	_ = 	snop  }
0x3b: {  	_ = 	snop  }
0x3c: {  	p2 =	seq.s32 s10, $0x1;
	s10 =	sld [smem:$0x3FB4]  }
0x3d: {  	_ =	shalt  }
0x3e: {  	_ =	shalt  }
0x3f: {  	_ =	shalt  }
0x40: {  	_ =	shalt  }
0x41: {  	_ =	shalt  }
0x42: {  	_ =	shalt  }
0x43: {  	_ =	shalt  }
0x44: {  	_ =	shalt  }
0x45: {  	_ =	shalt  }
0x46: {  	_ =	shalt  }
0x47: {  	_ =	shalt  }
0x48: {  	_ =	shalt  }
0x49: {  	_ =	shalt  }
0x4a: {  	_ =	shalt  }
0x4b: {  	_ =	shalt  }
0x4c: {  	_ =	shalt  }
0x4d: {  	_ =	shalt  }
0x4e: {  	_ =	shalt  }
0x4f: {  	_ =	shalt  }
0x50: {  	_ =	shalt  }
0x51: {  	_ =	shalt  }
0x52: {  	_ =	shalt  }
0x53: {  	_ =	shalt  }
0x54: {  	_ =	shalt  }
0x55: {  	_ =	shalt  }
0x56: {  	_ =	shalt  }
0x57: {  	_ =	shalt  }
0x58: {  	_ =	shalt  }
0x59: {  	_ =	shalt  }
0x5a: {  	_ =	shalt  }
0x5b: {  	_ =	shalt  }
0x5c: {  	_ =	shalt  }
0x5d: {  	_ =	shalt  }
0x5e: {  	_ =	shalt  }
0x5f: {  	_ =	shalt  }
0x60: {  	_ =	shalt  }
0x61: {  	_ =	shalt  }
0x62: {  	_ =	shalt  }
0x63: {  	_ =	shalt  }
0x64: {  	_ =	shalt  }
0x65: {  	_ =	shalt  }
0x66: {  	_ =	shalt  }
0x67: {  	_ =	shalt  }
0x68: {  	_ =	shalt  }
0x69: {  	_ =	shalt  }
0x6a: {  	_ =	shalt  }
0x6b: {  	_ =	shalt  }
0x6c: {  	_ =	shalt  }
0x6d: {  	_ =	shalt  }
0x6e: {  	_ =	shalt  }
0x6f: {  	_ =	shalt  }
0x70: {  	_ =	shalt  }
0x71: {  	_ =	shalt  }
0x72: {  	_ =	shalt  }
0x73: {  	_ =	shalt  }
0x74: {  	_ =	shalt  }
0x75: {  	_ =	shalt  }
0x76: {  	_ =	shalt  }
0x77: {  	_ =	shalt  }
0x78: {  	_ =	shalt  }
0x79: {  	_ =	shalt  }
0x7a: {  	_ =	shalt  }
0x7b: {  	_ =	shalt  }
0x7c: {  	_ =	shalt  }
0x7d: {  	_ =	shalt  }
0x7e: {  	_ =	shalt  }
0x7f: {  	_ =	shalt  }
0x80: {  	_ =	shalt  }
0x81: {  	_ =	shalt  }
0x82: {  	_ =	shalt  }
0x83: {  	_ =	shalt  }
0x84: {  	_ =	shalt  }
0x85: {  	_ =	shalt  }
0x86: {  	_ =	shalt  }
0x87: {  	_ =	shalt  }
.Lfunc_end0:
.L_simem_size_0:
called_computation_lowered:
.L_overlay_start_0:
0x88: {  	s2 =	sld [smem:$0x3FD9]  }
0x89: {  	s3 =	sld [smem:$0x3FFE];
	_ =	sdelay $0x1  }
0x8a: {  	s1 =	srdreg.scid  }
0x8b: {  	s0 =	sand.u32 $0x1, s1  }
0x8c: {  	s17 =	sshll.u32 s0, $0xA;
	s2 =	sadd.s32 s3, s2  }
0x8d: {  	s2 =	sadd.s32 s2, s17  }
0x8e: {  	[smem:$0x3FC0] =	sst s2  }
0x8f: {  	_ = 	snop  }
0x90: {  	s2 =	sld [smem:$0x3FD0];
	(tm) =	ssettm $0x1  }
0x91: {  	s18 =	sld [smem:$0x3FFB];
	_ =	sdelay $0x3  }
0x92: {  	_ =	strace s18  }
0x93: {  	s3 =	sld [smem:$0x3FFC];
	_ =	sdelay $0x3  }
0x94: {  	_ =	strace s3  }
0x95: {  	s3 =	sld [smem:$0x3FFD];
	_ =	sdelay $0x3  }
0x96: {  	_ =	strace s3  }
0x97: {  	_ =	strace $0x8FFFFFFF  }
0x98: {  	s19 =	sld [smem:$0x3FDB];
	_ =	sdelay $0x1  }
0x99: {  	s4 =	simm.s32 $_scs_section_size  }
0x9a: {  	s5 =	simm.s32 $_size__tile_overlayer_lowered;
	s6 =	simm.s32 $_tile_overlayer_lowered  }
0x9b: {  	s22 =	simm.s32 $0x1BFF;
	s21 =	sshll.u32 s6, $0x1;
	s3 =	sadd.s32 s4, s19  }
0x9c: {  	s7 =	simm.s32 $0x0;
	s20 =	sshll.u32 s5, $0x1;
	s5 =	sadd.s32 s21, s3  }
0x9d: {  	[timem:s7], [sflag:s22] =	dma.local [hbm:s5], s20  }
0x9e: {  	_ =	swait.ge [sflag:s22], s20  }
0x9f: {  	s4 =	ssub.s32 $0x0, s20;
	[sflag:s22] =	ssyncset.done $0x0  }
0xa0: {  	[sflag:s22] =	ssyncadd.s32 s4;
	_ =	sdelay $0x1  }
0xa1: {  	s23 =	simm.s32 $0x1B8B  }
0xa2: {  	_ =	swait.ge [sflag:s23], $0x1  }
0xa3: {  	[sflag:s23] =	ssyncset.done $0x0  }
0xa4: {  	s25 =	simm.s32 $0x1B8E;
	s24 =	sld [smem:$0x3FFE];
	[sflag:s23] =	ssyncadd.s32 $0xFFFFFFFF  }
0xa5: {  	s26 =	simm.s32 $execute0_lowered;
	[smem:$0x3FD2] =	sst s25  }
0xa6: {  	s5 =	sshll.u32 s26, $0x1;
	_ =	strace $0x80000046;
	[dreg:$0x1] =	wrdreg $0xFFFFFFFF  }
0xa7: {  	s28 =	simm.s32 $_size_execute0_lowered;
	s3 =	sadd.s32 s3, s5;
	[dreg:$0x0] =	wrdreg $0x0  }
0xa8: {  	s5 =	sshll.u32 s28, $0x1;
	[dreg:$0x2] =	wrdreg s3  }
0xa9: {  	[dreg:$0x3] =	wrdreg s5  }
0xaa: {  	[dreg:$0x4] =	wrdreg $0xC0  }
0xab: {  	_ =	task [dreg:s7], $0x5FFFF  }
0xac: {  	[dreg:$0x1] =	wrdreg $0xFFFFFFFF  }
0xad: {  	[dreg:$0x0] =	wrdreg $0x60  }
0xae: {  	[dreg:$0x2] =	wrdreg s24  }
0xaf: {  	[dreg:$0x3] =	wrdreg s2  }
0xb0: {  	[dreg:$0x4] =	wrdreg $0x9  }
0xb1: {  	_ =	task.clear_ibuf [dreg:s7], $0x5FFFF;
	_ =	strace $0x90000046  }
0xb2: {  	s29 =	simm.s32 $0x9;
	_ =	strace $0x80000048  }
0xb3: {  	_ =	swait.ge [sflag:s29], $0x1  }
0xb4: {  	[sflag:s29] =	ssyncadd.s32 $0xFFFFFFFF  }
0xb5: {  	_ =	strace $0x90000048  }
0xb6: {  	_ =	sfence  }
0xb7: {  	s30 =	sld [smem:$0x0];
	_ =	sdelay $0x2  }
0xb8: {  	s31 =	sshll.u32 s1, $0xD;
	s1 =	sshrl.u32 s1, $0x2  }
0xb9: {  	s3 =	sand.u32 $0x4000, s31;
	s1 =	sadd.s32 s1, s30  }
0xba: {  	s0 =	sor.u32 s3, s0;
	s1 =	sshll.u32 s1, $0x11  }
0xbb: {  	s0 =	sor.u32 s1, s0  }
0xbc: {  	s0 =	sadd.s32 $0x8F2B, s0  }
0xbd: {  	[sflag:s0] =	ssyncadd.remote.s32 $0x1  }
0xbe: {  	_ =	sfence.sel $0xFFFF  }
0xbf: {  	[dreg:$0x0] =	wrdreg $0xFFFFFFFF;
	(pc) =	sbr.abs _section_cstart, $3  }
0xc0: {  	[dreg:$0x1] =	wrdreg $0xFFFFFFFF  }
0xc1: {  	_ =	task.clear_ibuf [dreg:s7], $0x2FFFF;
	_ =	strace $0x9FFFFFFF  }
0xc2: {  	(tm) =	ssettm $0x7FFFFFFF  }
0xc3: {  	_ =	shalt  }
tec
execute0_lowered:
.L_overlay_start_1:
0x0: {  	(tag) =	ssettag $0x1  }
0x1: {  	s4 =	rddreg [dreg:$0x0];
	s1 =	srdreg.scid  }
0x2: {  	s0 =	stileid.u32;
	s6 =	rddreg [dreg:$0x1];
	s2 =	simm.s32 $0x0  }
0x3: {  	s11 =	simm.s32 $0x0;
	s5 =	sand.u32 $0x1, s1;
	s1 =	rddreg [dreg:$0x2]  }
0x4: {  	s3 =	sshll.u32 s0, $0x1;
	[smem:$0x7FF] =	sst s2;
	s10 =	smul.u32 $0x1C000, s0  }
0x5: {  	s3 =	sor.u32 s5, s3;
	_ =	strace $0x80000047;
	s31 =	smul.u32 $0xE000, s5  }
0x6: {  	s8 =	ssub.s32 $0x2, s5;
	s7 =	smul.u32 $0x3800, s3;
	s3 =	sadd.s32 $0xF000, s4  }
0x7: {  	s9 =	sshrl.u32 s8, $0x1;
	s6 =	sadd.s32 s10, s6;
	s10 =	simm.s32 $0x1  }
0x8: {  	s30 =	ssub.s32 s8, s9;
	s6 =	sadd.s32 s31, s6;
	s7 =	sshrl.u32 s7, $0x3  }
0x9: {  	s8 =	simm.s32 $0x80;
	s9 =	simm.s32 $0x3800;
	s4 =	sadd.s32 s7, s4  }
0xa: {  	s5 =	smax.u32 s30, $0x1;
	s7 =	simm.s32 $0x2;
	s4 =	sadd.s32 $0x1000, s4  }
.LBB2_1:
0xb: {  	[tilespmem:s2], [sflag:$0x2] =	stream.linear.gather [hbm4b:s4+s2], $0x3800, $0x38;
	[tilespmem:$0x4800] =	vst v63  }
0xc: {  	_ =	swait.ge [sflag:s7], $0x3800  }
0xd: {  	[sflag:s7] =	ssyncset.done $0x0  }
0xe: {  	s12 =	simm.s32 $0x0;
	[sflag:s7] =	ssyncadd.s32 $0xFFFFC800  }
0xf: {  	[tilespmem:s9], [sflag:$0x1] =	stream.indirect.gather [hbm4b:s3+s8], $0x20, s12, s8, $0xb8;
	[tilespmem:$0x4800] =	vst v63  }
0x10: {  	_ =	swait.ge [sflag:s10], $0x1000  }
0x11: {  	[sflag:s10] =	ssyncset.done $0x0  }
0x12: {  	s31 =	sadd.s32 $0x0, s6;
	[sflag:s10] =	ssyncadd.s32 $0xFFFFF000  }
0x13: {  	[hbm4b:s31+s2] =	stream.linear.scatter [tilespmem:s9], [sflag:$0x2], $0x1000, $0x38;
	[tilespmem:$0x4800] =	vst v63  }
0x14: {  	_ =	swait.ge [sflag:s7], $0x1000  }
0x15: {  	s13 =	simm.s32 $0x400;
	s12 =	simm.s32 $0x200;
	[sflag:s7] =	ssyncset.done $0x0  }
.LBB2_2:
0x16: {  	s14 =	sshra.s32 s12, $0x2  }
0x17: {  	[sflag:s7] =	ssyncadd.s32 $0xFFFFF000;
	s15 =	smov.u32 s13;
	s16 =	sadd.s32 $0x200, s13  }
0x18: {  	[tilespmem:s9], [sflag:$0x1] =	stream.indirect.gather [hbm4b:s3+s8], $0x20, s14, s8, $0xb8;
	[tilespmem:$0x4800] =	vst v63  }
0x19: {  	p0 =	sne.s32 s13, $0xDE00;
	_ =	swait.ge [sflag:s10], $0x1000  }
.Ltmp0:
0x1a: {  	[sflag:s10] =	ssyncset.done $0x0;
	(pc) =	sbr.rel @p0 .LBB2_2-.Ltmp0, $4  }
0x1b: {  	s13 =	sadd.s32 s12, s6;
	s12 =	smov.u32 s15;
	[sflag:s10] =	ssyncadd.s32 $0xFFFFF000  }
0x1c: {  	[hbm4b:s13+s2] =	stream.linear.scatter [tilespmem:s9], [sflag:$0x2], $0x1000, $0x38;
	[tilespmem:$0x4800] =	vst v63  }
0x1d: {  	_ =	swait.ge [sflag:s7], $0x1000  }
0x1e: {  	s13 =	smov.u32 s16;
	[sflag:s7] =	ssyncset.done $0x0  }
0x1f: {  	s13 =	sshra.s32 s12, $0x2;
	[sflag:s7] =	ssyncadd.s32 $0xFFFFF000  }
0x20: {  	[tilespmem:s9], [sflag:$0x1] =	stream.indirect.gather [hbm4b:s3+s8], $0x20, s13, s8, $0xb8;
	[tilespmem:$0x4800] =	vst v63  }
0x21: {  	s11 =	sadd.s32 $0x1, s11;
	_ =	swait.ge [sflag:s10], $0x1000  }
0x22: {  	p0 =	sne.s32 s11, s5;
	[sflag:s10] =	ssyncset.done $0x0  }
.Ltmp1:
0x23: {  	s31 =	sadd.s32 s12, s6;
	[sflag:s10] =	ssyncadd.s32 $0xFFFFF000;
	(pc) =	sbr.rel @p0 .LBB2_1-.Ltmp1, $4  }
0x24: {  	[hbm4b:s31+s2] =	stream.linear.scatter [tilespmem:s9], [sflag:$0x2], $0x1000, $0x38;
	[tilespmem:$0x4800] =	vst v63  }
0x25: {  	_ =	swait.ge [sflag:s7], $0x1000  }
0x26: {  	[sflag:s7] =	ssyncset.done $0x0  }
0x27: {  	[sflag:s7] =	ssyncadd.s32 $0xFFFFF000  }
0x28: {  	_ =	sfence.sel $0x180000  }
0x29: {  	[bflag:$0x0] =	sbarrier.arrive $0xFFFF  }
0x2a: {  	p0 =	sne.s32 s0, $0x0;
	_ =	strace $0x90000047  }
0x2b: {  	s0 =	sadd.s32 @!p0 $0x100000, s1;
	[bflag:$0x2] =	sbarrier.arrive $0xFFFF  }
0x2c: {  	[sflag:s0] =	ssyncadd.tile.s32 @!p0 $0x1;
	_ =	shalt  }
.Lfunc_end2:
_tile_overlayer_lowered:
.L_overlay_start_2:
0x2d: {  	(tag) =	ssettag $0x2  }
0x2e: {  	s0 =	rddreg [dreg:$0x0];
	s2 =	stileid.u32  }
0x2f: {  	s1 =	rddreg [dreg:$0x1];
	p0 =	sne.s32 s2, $0x0  }
0x30: {  	s3 =	rddreg [dreg:$0x2];
	[bflag:$0x3] =	sbarrier.arrive $0xFFFF;
	s2 =	simm.s32 @!p0 $0x1C02  }
0x31: {  	[timem:s3], [sflag:s2] =	dma.local @!p0 [hbm:s0], s1  }
0x32: {  	s0 =	simm.s32 @!p0 $0x2  }
0x33: {  	_ =	swait.ge @!p0 [sflag:s0], s1  }
0x34: {  	s1 =	ssub.s32 @!p0 $0x0, s1;
	[sflag:s0] =	ssyncset.done @!p0 $0x0  }
0x35: {  	[sflag:s0] =	ssyncadd.s32 @!p0 s1  }
0x36: {  	[bflag:$0x3] =	sbarrier.arrive $0xFFFF  }
0x37: {  	_ =	shalt  }

</sc_bundles>
